<compile_context>
chip_gen: v7x
topology: tpu7x:2x2x1
jax: 0.10.2.dev20260603
libtpu: 0.0.44.dev20260713+nightly
codegen_flags: <defaults>
</compile_context>

<pallas_src>
import functools
import jax
import jax.numpy as jnp
from jax import lax
from jax.experimental import pallas as pl
from jax.experimental.pallas import tpu as pltpu
from jax.experimental.pallas import tpu_sc as plsc

_NBUF = 16
_CHUNK = 64


def _sc_reverse_body(n_pad, emb_hbm, femb_hbm, idx_v, buf_v, sem):
    wid = lax.axis_index("s")
    k0 = wid * _CHUNK
    lane = lax.broadcasted_iota(jnp.int32, (16,), 0)
    for c in range(_CHUNK // 16):
        v = (n_pad - 2 - k0 - 16 * c) - lane
        idx_v[pl.ds(c * 16, 16)] = jnp.where(v < 0, n_pad - 1, v)
    gather = pltpu.make_async_copy(emb_hbm.at[idx_v], buf_v, sem)
    gather.start()
    gather.wait()
    pltpu.sync_copy(buf_v, femb_hbm.at[pl.ds(k0, _CHUNK)])


def _tc_stream_body(s, n_pad, base_ref, femb_ref, out_ref,
                    femb8_ref, sems):
    i = pl.program_id(0)

    @pl.when(i == 0)
    def _():
        femb = femb_ref[...]
        for p in range(8):
            femb8_ref[p] = pltpu.roll(femb, (n_pad - p) % n_pad, 0)

    start = base_ref[0] - i
    p = jax.lax.rem(start, 8)
    a = pl.multiple_of(start - p, 8)

    @pl.when(i >= _NBUF)
    def _():
        pltpu.make_async_copy(
            femb8_ref.at[0, pl.ds(0, s), :], out_ref.at[0], sems.at[i % _NBUF]
        ).wait()

    pltpu.make_async_copy(
        femb8_ref.at[p, pl.ds(a, s), :], out_ref.at[i], sems.at[i % _NBUF]
    ).start()

    @pl.when(i == s - 1)
    def _():
        for k in range(_NBUF):
            pltpu.make_async_copy(
                femb8_ref.at[0, pl.ds(0, s), :], out_ref.at[0], sems.at[k]
            ).wait()


def kernel(seq_len, rel_pos_emb):
    n_emb, d = rel_pos_emb.shape
    s = (n_emb + 1) // 2
    n_pad = n_emb + 1
    base = n_emb - seq_len

    mesh = plsc.VectorSubcoreMesh(
        core_axis_name="c", subcore_axis_name="s", num_cores=1)
    sc_reverse = pl.kernel(
        functools.partial(_sc_reverse_body, n_pad),
        mesh=mesh,
        out_type=jax.ShapeDtypeStruct((n_pad, d), rel_pos_emb.dtype),
        scratch_types=[
            pltpu.VMEM((_CHUNK,), jnp.int32),
            pltpu.VMEM((_CHUNK, d), rel_pos_emb.dtype),
            pltpu.SemaphoreType.DMA,
        ],
        compiler_params=pltpu.CompilerParams(use_tc_tiling_on_sc=False),
    )
    emb_pad = jnp.concatenate(
        [rel_pos_emb, jnp.zeros((1, d), rel_pos_emb.dtype)], axis=0)
    femb = sc_reverse(emb_pad)

    out = pl.pallas_call(
        functools.partial(_tc_stream_body, s, n_pad),
        grid_spec=pltpu.PrefetchScalarGridSpec(
            num_scalar_prefetch=1,
            grid=(s,),
            in_specs=[pl.BlockSpec((n_pad, d), lambda i, base: (0, 0))],
            out_specs=pl.BlockSpec(memory_space=pl.ANY),
            scratch_shapes=[
                pltpu.VMEM((8, n_pad, d), rel_pos_emb.dtype),
                pltpu.SemaphoreType.DMA((_NBUF,)),
            ],
        ),
        out_shape=jax.ShapeDtypeStruct((s, s, d), rel_pos_emb.dtype),
    )(jnp.asarray(base, jnp.int32).reshape(1), femb)
    return out

# --- scband reference (transcript-rebuilt; emitter-appended) ---
"""Pipeline reference for scband-relative-position-encoding-62483184222921 (READ-ONLY COPY).

The authoritative reference and input builder live on the scoring server;
editing this copy changes nothing except your own understanding.
"""

import jax, jax.numpy as jnp
import numpy as np

D_MODEL = 256
MAX_LEN = 512

def setup_inputs(seed: int = 0) -> dict:
    key = jax.random.key(seed)
    rel_pos_emb = jax.random.normal(key, (2 * MAX_LEN - 1, D_MODEL), dtype=jnp.float32) * 0.02
    return {"seq_len": 512, "rel_pos_emb": rel_pos_emb}

def reference(seq_len, rel_pos_emb):
    static_len = (rel_pos_emb.shape[0] + 1) // 2
    positions = jnp.arange(static_len)
    rel_pos = positions[:, None] - positions[None, :]
    rel_pos = rel_pos + seq_len - 1
    return jnp.take(rel_pos_emb, rel_pos, axis=0)

if __name__ == "__main__":
    import jax
    _d = setup_inputs()
    print(jax.jit(kernel)(*tuple(_d.values())))

</pallas_src>

<mosaic_0001>
#map = affine_map<(d0, d1) -> (0, 0)>
module attributes {stable_mosaic.version = 14 : i64} {
  func.func @_sc_reverse_body(%arg0: i32, %arg1: i32, %arg2: memref<1024x256xf32, #tpu.memory_space<hbm>>, %arg3: memref<1024x256xf32, #tpu.memory_space<hbm>>, %arg4: memref<64xi32, #tpu.memory_space<vmem>>, %arg5: memref<64x256xf32, #tpu.memory_space<vmem>>, %arg6: memref<!tpu.dma_semaphore, #tpu.memory_space<semaphore_mem>>) attributes {dimension_semantics = [#tpu.dimension_semantics<core_parallel>, #tpu.dimension_semantics<subcore_parallel>], iteration_bounds = array<i64: 1, 16>, scalar_prefetch = 0 : i64, scratch_operands = 3 : i64, tpu.core_type = #tpu.core_type<sc_vector_subcore>, window_params = [{transform_indices = #map}, {transform_indices = #map}]} {
    %mul3A = arith.constant 64 : i32
    %mul3A_0 = arith.muli %arg1, %mul3A : i32
    %iota3A = tpu.iota {dimensions = array<i32: 0>} : vector<16xi32>
    %sub3A = arith.constant 1022 : i32
    %sub3A_1 = arith.subi %sub3A, %mul3A_0 : i32
    %sub3A_2 = arith.constant 0 : i32
    %sub3A_3 = arith.subi %sub3A_1, %sub3A_2 : i32
    %sub3A_4 = vector.broadcast %sub3A_3 : i32 to vector<16xi32>
    %sub3A_5 = arith.subi %sub3A_4, %iota3A : vector<16xi32>
    %lt3A = arith.constant 0 : i32
    %lt3A_6 = vector.broadcast %lt3A : i32 to vector<16xi32>
    %lt3A_7 = arith.cmpi slt, %sub3A_5, %lt3A_6 : vector<16xi32>
    %jit3A = arith.constant 1023 : i32
    %broadcast_in_dim3A = vector.broadcast %jit3A : i32 to vector<16xi32>
    %select_n3A = arith.select %lt3A_7, %broadcast_in_dim3A, %sub3A_5 : vector<16xi1>, vector<16xi32>
    %swap3A = arith.constant 0 : index
    %swap3A_8 = tpu.vector_load %arg4[%swap3A] {strides = array<i32>} : memref<64xi32, #tpu.memory_space<vmem>>, vector<16xi32>,
    %swap3A_9 = vector.shape_cast %swap3A_8 : vector<16xi32> to vector<16xi32>
    %swap3A_10 = vector.shape_cast %select_n3A : vector<16xi32> to vector<16xi32>
    tpu.vector_store %arg4[%swap3A], %swap3A_10 {strides = array<i32>} : memref<64xi32, #tpu.memory_space<vmem>>, vector<16xi32>,
    %sub3A_11 = arith.constant 1022 : i32
    %sub3A_12 = arith.subi %sub3A_11, %mul3A_0 : i32
    %sub3A_13 = arith.constant 16 : i32
    %sub3A_14 = arith.subi %sub3A_12, %sub3A_13 : i32
    %sub3A_15 = vector.broadcast %sub3A_14 : i32 to vector<16xi32>
    %sub3A_16 = arith.subi %sub3A_15, %iota3A : vector<16xi32>
    %lt3A_17 = arith.constant 0 : i32
    %lt3A_18 = vector.broadcast %lt3A_17 : i32 to vector<16xi32>
    %lt3A_19 = arith.cmpi slt, %sub3A_16, %lt3A_18 : vector<16xi32>
    %jit3A_20 = arith.constant 1023 : i32
    %broadcast_in_dim3A_21 = vector.broadcast %jit3A_20 : i32 to vector<16xi32>
    %select_n3A_22 = arith.select %lt3A_19, %broadcast_in_dim3A_21, %sub3A_16 : vector<16xi1>, vector<16xi32>
    %swap3A_23 = arith.constant 16 : index
    %swap3A_24 = tpu.vector_load %arg4[%swap3A_23] {strides = array<i32>} : memref<64xi32, #tpu.memory_space<vmem>>, vector<16xi32>,
    %swap3A_25 = vector.shape_cast %swap3A_24 : vector<16xi32> to vector<16xi32>
    %swap3A_26 = vector.shape_cast %select_n3A_22 : vector<16xi32> to vector<16xi32>
    tpu.vector_store %arg4[%swap3A_23], %swap3A_26 {strides = array<i32>} : memref<64xi32, #tpu.memory_space<vmem>>, vector<16xi32>,
    %sub3A_27 = arith.constant 1022 : i32
    %sub3A_28 = arith.subi %sub3A_27, %mul3A_0 : i32
    %sub3A_29 = arith.constant 32 : i32
    %sub3A_30 = arith.subi %sub3A_28, %sub3A_29 : i32
    %sub3A_31 = vector.broadcast %sub3A_30 : i32 to vector<16xi32>
    %sub3A_32 = arith.subi %sub3A_31, %iota3A : vector<16xi32>
    %lt3A_33 = arith.constant 0 : i32
    %lt3A_34 = vector.broadcast %lt3A_33 : i32 to vector<16xi32>
    %lt3A_35 = arith.cmpi slt, %sub3A_32, %lt3A_34 : vector<16xi32>
    %jit3A_36 = arith.constant 1023 : i32
    %broadcast_in_dim3A_37 = vector.broadcast %jit3A_36 : i32 to vector<16xi32>
    %select_n3A_38 = arith.select %lt3A_35, %broadcast_in_dim3A_37, %sub3A_32 : vector<16xi1>, vector<16xi32>
    %swap3A_39 = arith.constant 32 : index
    %swap3A_40 = tpu.vector_load %arg4[%swap3A_39] {strides = array<i32>} : memref<64xi32, #tpu.memory_space<vmem>>, vector<16xi32>,
    %swap3A_41 = vector.shape_cast %swap3A_40 : vector<16xi32> to vector<16xi32>
    %swap3A_42 = vector.shape_cast %select_n3A_38 : vector<16xi32> to vector<16xi32>
    tpu.vector_store %arg4[%swap3A_39], %swap3A_42 {strides = array<i32>} : memref<64xi32, #tpu.memory_space<vmem>>, vector<16xi32>,
    %sub3A_43 = arith.constant 1022 : i32
    %sub3A_44 = arith.subi %sub3A_43, %mul3A_0 : i32
    %sub3A_45 = arith.constant 48 : i32
    %sub3A_46 = arith.subi %sub3A_44, %sub3A_45 : i32
    %sub3A_47 = vector.broadcast %sub3A_46 : i32 to vector<16xi32>
    %sub3A_48 = arith.subi %sub3A_47, %iota3A : vector<16xi32>
    %lt3A_49 = arith.constant 0 : i32
    %lt3A_50 = vector.broadcast %lt3A_49 : i32 to vector<16xi32>
    %lt3A_51 = arith.cmpi slt, %sub3A_48, %lt3A_50 : vector<16xi32>
    %jit3A_52 = arith.constant 1023 : i32
    %broadcast_in_dim3A_53 = vector.broadcast %jit3A_52 : i32 to vector<16xi32>
    %select_n3A_54 = arith.select %lt3A_51, %broadcast_in_dim3A_53, %sub3A_48 : vector<16xi1>, vector<16xi32>
    %swap3A_55 = arith.constant 48 : index
    %swap3A_56 = tpu.vector_load %arg4[%swap3A_55] {strides = array<i32>} : memref<64xi32, #tpu.memory_space<vmem>>, vector<16xi32>,
    %swap3A_57 = vector.shape_cast %swap3A_56 : vector<16xi32> to vector<16xi32>
    %swap3A_58 = vector.shape_cast %select_n3A_54 : vector<16xi32> to vector<16xi32>
    tpu.vector_store %arg4[%swap3A_55], %swap3A_58 {strides = array<i32>} : memref<64xi32, #tpu.memory_space<vmem>>, vector<16xi32>,
    %dma_start3A = arith.constant 0 : i32
    %dma_start3A_59 = arith.constant 0 : i32
    %dma_start3A_60 = tpu.memref_slice %arg2[%dma_start3A, %dma_start3A_59] : memref<1024x256xf32, #tpu.memory_space<hbm>> -> memref<1024x256xf32, #tpu.memory_space<hbm>>
    tpu.enqueue_indirect_dma source(%dma_start3A_60 : memref<1024x256xf32, #tpu.memory_space<hbm>>) target(%arg5 : memref<64x256xf32, #tpu.memory_space<vmem>>) offsets(%arg4 : memref<64xi32, #tpu.memory_space<vmem>>) semaphore(%arg6 : memref<!tpu.dma_semaphore, #tpu.memory_space<semaphore_mem>>)
    %dma_wait3A = arith.constant 0 : i32
    %dma_wait3A_61 = arith.constant 0 : i32
    %dma_wait3A_62 = tpu.memref_slice %arg2[%dma_wait3A, %dma_wait3A_61] : memref<1024x256xf32, #tpu.memory_space<hbm>> -> memref<1024x256xf32, #tpu.memory_space<hbm>>
    tpu.wait_indirect_dma semaphore(%arg6 : memref<!tpu.dma_semaphore, #tpu.memory_space<semaphore_mem>>) src(%dma_wait3A_62 : memref<1024x256xf32, #tpu.memory_space<hbm>>) dst(%arg5 : memref<64x256xf32, #tpu.memory_space<vmem>>)
    "tpu.region"() ({
      %run_scoped3A = tpu.sem_alloc : memref<!tpu.dma_semaphore, #tpu.memory_space<semaphore_mem>>
      %dma_start3A_63 = arith.constant 0 : i32
      %dma_start3A_64 = tpu.memref_slice %arg3[%mul3A_0, %dma_start3A_63] : memref<1024x256xf32, #tpu.memory_space<hbm>> -> memref<64x256xf32, #tpu.memory_space<hbm>>
      %dma_start3A_65 = arith.constant 0 : i32
      %dma_start3A_66 = tpu.memref_slice %arg3[%mul3A_0, %dma_start3A_65] : memref<1024x256xf32, #tpu.memory_space<hbm>> -> memref<64x256xf32, #tpu.memory_space<hbm>>
      tpu.enqueue_dma source(%arg5 : memref<64x256xf32, #tpu.memory_space<vmem>>) target(%dma_start3A_66 : memref<64x256xf32, #tpu.memory_space<hbm>>) target_semaphore(%run_scoped3A : memref<!tpu.dma_semaphore, #tpu.memory_space<semaphore_mem>>)
      %dma_wait3A_67 = arith.constant 0 : i32
      %dma_wait3A_68 = tpu.memref_slice %arg3[%mul3A_0, %dma_wait3A_67] : memref<1024x256xf32, #tpu.memory_space<hbm>> -> memref<64x256xf32, #tpu.memory_space<hbm>>
      %dma_wait3A_69 = arith.constant 0 : i32
      %dma_wait3A_70 = tpu.memref_slice %arg3[%mul3A_0, %dma_wait3A_69] : memref<1024x256xf32, #tpu.memory_space<hbm>> -> memref<64x256xf32, #tpu.memory_space<hbm>>
      tpu.wait_dma2 semaphore(%run_scoped3A : memref<!tpu.dma_semaphore, #tpu.memory_space<semaphore_mem>>) src(%arg5 : memref<64x256xf32, #tpu.memory_space<vmem>>) dst(%dma_wait3A_70 : memref<64x256xf32, #tpu.memory_space<hbm>>)
      tpu.yield
    }) : () -> ()
    return
  }
}

module attributes {stable_mosaic.version = 14 : i64} {
  func.func @_tc_stream_body(%arg0: i32, %arg1: memref<1xi32, #tpu.memory_space<smem>>, %arg2: memref<1024x256xf32, #tpu.memory_space<vmem>>, %arg3: memref<512x512x256xf32, #tpu.memory_space<any>>, %arg4: memref<8x1024x256xf32, #tpu.memory_space<vmem>>, %arg5: memref<16x!tpu.dma_semaphore, #tpu.memory_space<semaphore_mem>>) attributes {dimension_semantics = [#tpu.dimension_semantics<arbitrary>], iteration_bounds = array<i64: 512>, scalar_prefetch = 1 : i64, scratch_operands = 2 : i64, tpu.core_type = #tpu.core_type<tc>, window_params = [{pipeline_mode = #tpu.pipeline_mode<synchronous>, transform_indices = @transform_0, window_bounds = array<i64: 1024, 256>}, {}]} {
    %eq3A = arith.constant 0 : i32
    %eq3A_0 = arith.cmpi eq, %arg0, %eq3A : i32
    %convert_element_type3A = arith.extui %eq3A_0 : i1 to i32
    %cond3A = arith.constant 0 : i32
    %cond3A_1 = arith.cmpi ne, %convert_element_type3A, %cond3A : i32
    scf.if %cond3A_1 {
      %get3A_32 = arith.constant 0 : index
      %get3A_33 = arith.constant 0 : index
      %get3A_34 = vector.load %arg2[%get3A_32, %get3A_33] : memref<1024x256xf32, #tpu.memory_space<vmem>>, vector<1024x256xf32>
      %roll3A = arith.constant 0 : i32
      %roll3A_35 = tpu.dynamic_rotate %get3A_34 by %roll3A dim 0 : vector<1024x256xf32>, i32 -> vector<1024x256xf32>
      %swap3A = arith.constant 0 : index
      %swap3A_36 = arith.constant 0 : index
      %swap3A_37 = arith.constant 0 : index
      %swap3A_38 = vector.load %arg4[%swap3A, %swap3A_36, %swap3A_37] : memref<8x1024x256xf32, #tpu.memory_space<vmem>>, vector<1x1024x256xf32>
      %swap3A_39 = vector.shape_cast %swap3A_38 : vector<1x1024x256xf32> to vector<1024x256xf32>
      %swap3A_40 = vector.shape_cast %roll3A_35 : vector<1024x256xf32> to vector<1x1024x256xf32>
      tpu.vector_store %arg4[%swap3A, %swap3A_36, %swap3A_37], %swap3A_40 {strides = array<i32>} : memref<8x1024x256xf32, #tpu.memory_space<vmem>>, vector<1x1024x256xf32>,
      %roll3A_41 = arith.constant 1023 : i32
      %roll3A_42 = tpu.dynamic_rotate %get3A_34 by %roll3A_41 dim 0 : vector<1024x256xf32>, i32 -> vector<1024x256xf32>
      %swap3A_43 = arith.constant 1 : index
      %swap3A_44 = arith.constant 0 : index
      %swap3A_45 = arith.constant 0 : index
      %swap3A_46 = vector.load %arg4[%swap3A_43, %swap3A_44, %swap3A_45] : memref<8x1024x256xf32, #tpu.memory_space<vmem>>, vector<1x1024x256xf32>
      %swap3A_47 = vector.shape_cast %swap3A_46 : vector<1x1024x256xf32> to vector<1024x256xf32>
      %swap3A_48 = vector.shape_cast %roll3A_42 : vector<1024x256xf32> to vector<1x1024x256xf32>
      tpu.vector_store %arg4[%swap3A_43, %swap3A_44, %swap3A_45], %swap3A_48 {strides = array<i32>} : memref<8x1024x256xf32, #tpu.memory_space<vmem>>, vector<1x1024x256xf32>,
      %roll3A_49 = arith.constant 1022 : i32
      %roll3A_50 = tpu.dynamic_rotate %get3A_34 by %roll3A_49 dim 0 : vector<1024x256xf32>, i32 -> vector<1024x256xf32>
      %swap3A_51 = arith.constant 2 : index
      %swap3A_52 = arith.constant 0 : index
      %swap3A_53 = arith.constant 0 : index
      %swap3A_54 = vector.load %arg4[%swap3A_51, %swap3A_52, %swap3A_53] : memref<8x1024x256xf32, #tpu.memory_space<vmem>>, vector<1x1024x256xf32>
      %swap3A_55 = vector.shape_cast %swap3A_54 : vector<1x1024x256xf32> to vector<1024x256xf32>
      %swap3A_56 = vector.shape_cast %roll3A_50 : vector<1024x256xf32> to vector<1x1024x256xf32>
      tpu.vector_store %arg4[%swap3A_51, %swap3A_52, %swap3A_53], %swap3A_56 {strides = array<i32>} : memref<8x1024x256xf32, #tpu.memory_space<vmem>>, vector<1x1024x256xf32>,
      %roll3A_57 = arith.constant 1021 : i32
      %roll3A_58 = tpu.dynamic_rotate %get3A_34 by %roll3A_57 dim 0 : vector<1024x256xf32>, i32 -> vector<1024x256xf32>
      %swap3A_59 = arith.constant 3 : index
      %swap3A_60 = arith.constant 0 : index
      %swap3A_61 = arith.constant 0 : index
      %swap3A_62 = vector.load %arg4[%swap3A_59, %swap3A_60, %swap3A_61] : memref<8x1024x256xf32, #tpu.memory_space<vmem>>, vector<1x1024x256xf32>
      %swap3A_63 = vector.shape_cast %swap3A_62 : vector<1x1024x256xf32> to vector<1024x256xf32>
      %swap3A_64 = vector.shape_cast %roll3A_58 : vector<1024x256xf32> to vector<1x1024x256xf32>
      tpu.vector_store %arg4[%swap3A_59, %swap3A_60, %swap3A_61], %swap3A_64 {strides = array<i32>} : memref<8x1024x256xf32, #tpu.memory_space<vmem>>, vector<1x1024x256xf32>,
      %roll3A_65 = arith.constant 1020 : i32
      %roll3A_66 = tpu.dynamic_rotate %get3A_34 by %roll3A_65 dim 0 : vector<1024x256xf32>, i32 -> vector<1024x256xf32>
      %swap3A_67 = arith.constant 4 : index
      %swap3A_68 = arith.constant 0 : index
      %swap3A_69 = arith.constant 0 : index
      %swap3A_70 = vector.load %arg4[%swap3A_67, %swap3A_68, %swap3A_69] : memref<8x1024x256xf32, #tpu.memory_space<vmem>>, vector<1x1024x256xf32>
      %swap3A_71 = vector.shape_cast %swap3A_70 : vector<1x1024x256xf32> to vector<1024x256xf32>
      %swap3A_72 = vector.shape_cast %roll3A_66 : vector<1024x256xf32> to vector<1x1024x256xf32>
      tpu.vector_store %arg4[%swap3A_67, %swap3A_68, %swap3A_69], %swap3A_72 {strides = array<i32>} : memref<8x1024x256xf32, #tpu.memory_space<vmem>>, vector<1x1024x256xf32>,
      %roll3A_73 = arith.constant 1019 : i32
      %roll3A_74 = tpu.dynamic_rotate %get3A_34 by %roll3A_73 dim 0 : vector<1024x256xf32>, i32 -> vector<1024x256xf32>
      %swap3A_75 = arith.constant 5 : index
      %swap3A_76 = arith.constant 0 : index
      %swap3A_77 = arith.constant 0 : index
      %swap3A_78 = vector.load %arg4[%swap3A_75, %swap3A_76, %swap3A_77] : memref<8x1024x256xf32, #tpu.memory_space<vmem>>, vector<1x1024x256xf32>
      %swap3A_79 = vector.shape_cast %swap3A_78 : vector<1x1024x256xf32> to vector<1024x256xf32>
      %swap3A_80 = vector.shape_cast %roll3A_74 : vector<1024x256xf32> to vector<1x1024x256xf32>
      tpu.vector_store %arg4[%swap3A_75, %swap3A_76, %swap3A_77], %swap3A_80 {strides = array<i32>} : memref<8x1024x256xf32, #tpu.memory_space<vmem>>, vector<1x1024x256xf32>,
      %roll3A_81 = arith.constant 1018 : i32
      %roll3A_82 = tpu.dynamic_rotate %get3A_34 by %roll3A_81 dim 0 : vector<1024x256xf32>, i32 -> vector<1024x256xf32>
      %swap3A_83 = arith.constant 6 : index
      %swap3A_84 = arith.constant 0 : index
      %swap3A_85 = arith.constant 0 : index
      %swap3A_86 = vector.load %arg4[%swap3A_83, %swap3A_84, %swap3A_85] : memref<8x1024x256xf32, #tpu.memory_space<vmem>>, vector<1x1024x256xf32>
      %swap3A_87 = vector.shape_cast %swap3A_86 : vector<1x1024x256xf32> to vector<1024x256xf32>
      %swap3A_88 = vector.shape_cast %roll3A_82 : vector<1024x256xf32> to vector<1x1024x256xf32>
      tpu.vector_store %arg4[%swap3A_83, %swap3A_84, %swap3A_85], %swap3A_88 {strides = array<i32>} : memref<8x1024x256xf32, #tpu.memory_space<vmem>>, vector<1x1024x256xf32>,
      %roll3A_89 = arith.constant 1017 : i32
      %roll3A_90 = tpu.dynamic_rotate %get3A_34 by %roll3A_89 dim 0 : vector<1024x256xf32>, i32 -> vector<1024x256xf32>
      %swap3A_91 = arith.constant 7 : index
      %swap3A_92 = arith.constant 0 : index
      %swap3A_93 = arith.constant 0 : index
      %swap3A_94 = vector.load %arg4[%swap3A_91, %swap3A_92, %swap3A_93] : memref<8x1024x256xf32, #tpu.memory_space<vmem>>, vector<1x1024x256xf32>
      %swap3A_95 = vector.shape_cast %swap3A_94 : vector<1x1024x256xf32> to vector<1024x256xf32>
      %swap3A_96 = vector.shape_cast %roll3A_90 : vector<1024x256xf32> to vector<1x1024x256xf32>
      tpu.vector_store %arg4[%swap3A_91, %swap3A_92, %swap3A_93], %swap3A_96 {strides = array<i32>} : memref<8x1024x256xf32, #tpu.memory_space<vmem>>, vector<1x1024x256xf32>,
    } else {
    }
    %get3A = arith.constant 0 : index
    %get3A_2 = memref.load %arg1[%get3A] : memref<1xi32, #tpu.memory_space<smem>>
    %sub3A = arith.subi %get3A_2, %arg0 : i32
    %rem3A = arith.constant 8 : i32
    %rem3A_3 = arith.remsi %sub3A, %rem3A : i32
    %sub3A_4 = arith.subi %sub3A, %rem3A_3 : i32
    %multiple_of3A = tpu.assume_multiple %sub3A_4, 8 : i32
    %ge3A = arith.constant 16 : i32
    %ge3A_5 = arith.cmpi sge, %arg0, %ge3A : i32
    %convert_element_type3A_6 = arith.extui %ge3A_5 : i1 to i32
    %cond3A_7 = arith.constant 0 : i32
    %cond3A_8 = arith.cmpi ne, %convert_element_type3A_6, %cond3A_7 : i32
    scf.if %cond3A_8 {
      %jit3A_32 = arith.constant 16 : i32
      %eq3A_33 = arith.constant 0 : i32
      %eq3A_34 = arith.cmpi eq, %jit3A_32, %eq3A_33 : i32
      %jit3A_35 = arith.constant 1 : i32
      %select_n3A_36 = arith.select %eq3A_34, %jit3A_35, %jit3A_32 : i32
      %rem3A_37 = arith.remsi %arg0, %select_n3A_36 : i32
      %ne3A_38 = arith.constant 0 : i32
      %ne3A_39 = arith.cmpi ne, %rem3A_37, %ne3A_38 : i32
      %lt3A_40 = arith.constant 0 : i32
      %lt3A_41 = arith.cmpi slt, %rem3A_37, %lt3A_40 : i32
      %lt3A_42 = arith.constant 0 : i32
      %lt3A_43 = arith.cmpi slt, %select_n3A_36, %lt3A_42 : i32
      %ne3A_44 = arith.xori %lt3A_41, %lt3A_43 : i1
      %and3A_45 = arith.andi %ne3A_44, %ne3A_39 : i1
      %add3A_46 = arith.addi %rem3A_37, %select_n3A_36 : i32
      %select_n3A_47 = arith.select %and3A_45, %add3A_46, %rem3A_37 : i32
      %dma_wait3A = arith.constant 0 : i32
      %dma_wait3A_48 = arith.constant 0 : i32
      %dma_wait3A_49 = tpu.memref_slice %arg5[%select_n3A_47] : memref<16x!tpu.dma_semaphore, #tpu.memory_space<semaphore_mem>> -> memref<1x!tpu.dma_semaphore, #tpu.memory_space<semaphore_mem>>
      %dma_wait3A_50 = tpu.memref_squeeze %dma_wait3A_49 : memref<1x!tpu.dma_semaphore, #tpu.memory_space<semaphore_mem>> -> memref<!tpu.dma_semaphore, #tpu.memory_space<semaphore_mem>>
      %dma_wait3A_51 = arith.constant 0 : i32
      %dma_wait3A_52 = arith.constant 0 : i32
      %dma_wait3A_53 = tpu.memref_slice %arg3[%dma_wait3A_48, %dma_wait3A_51, %dma_wait3A_52] : memref<512x512x256xf32, #tpu.memory_space<any>> -> memref<1x512x256xf32, #tpu.memory_space<any>>
      %dma_wait3A_54 = tpu.memref_squeeze %dma_wait3A_53 : memref<1x512x256xf32, #tpu.memory_space<any>> -> memref<512x256xf32, #tpu.memory_space<any>>
      %dma_wait3A_55 = arith.constant 0 : i32
      %dma_wait3A_56 = arith.constant 0 : i32
      %dma_wait3A_57 = tpu.memref_slice %arg4[%dma_wait3A, %dma_wait3A_55, %dma_wait3A_56] : memref<8x1024x256xf32, #tpu.memory_space<vmem>> -> memref<1x512x256xf32, #tpu.memory_space<vmem>>
      %dma_wait3A_58 = tpu.memref_squeeze %dma_wait3A_57 : memref<1x512x256xf32, #tpu.memory_space<vmem>> -> memref<512x256xf32, #tpu.memory_space<vmem>>
      tpu.wait_dma2 semaphore(%dma_wait3A_50 : memref<!tpu.dma_semaphore, #tpu.memory_space<semaphore_mem>>) src(%dma_wait3A_58 : memref<512x256xf32, #tpu.memory_space<vmem>>) dst(%dma_wait3A_54 : memref<512x256xf32, #tpu.memory_space<any>>)
    } else {
    }
    %jit3A = arith.constant 16 : i32
    %eq3A_9 = arith.constant 0 : i32
    %eq3A_10 = arith.cmpi eq, %jit3A, %eq3A_9 : i32
    %jit3A_11 = arith.constant 1 : i32
    %select_n3A = arith.select %eq3A_10, %jit3A_11, %jit3A : i32
    %rem3A_12 = arith.remsi %arg0, %select_n3A : i32
    %ne3A = arith.constant 0 : i32
    %ne3A_13 = arith.cmpi ne, %rem3A_12, %ne3A : i32
    %lt3A = arith.constant 0 : i32
    %lt3A_14 = arith.cmpi slt, %rem3A_12, %lt3A : i32
    %lt3A_15 = arith.constant 0 : i32
    %lt3A_16 = arith.cmpi slt, %select_n3A, %lt3A_15 : i32
    %ne3A_17 = arith.xori %lt3A_14, %lt3A_16 : i1
    %and3A = arith.andi %ne3A_17, %ne3A_13 : i1
    %add3A = arith.addi %rem3A_12, %select_n3A : i32
    %select_n3A_18 = arith.select %and3A, %add3A, %rem3A_12 : i32
    %dma_start3A = tpu.memref_slice %arg5[%select_n3A_18] : memref<16x!tpu.dma_semaphore, #tpu.memory_space<semaphore_mem>> -> memref<1x!tpu.dma_semaphore, #tpu.memory_space<semaphore_mem>>
    %dma_start3A_19 = tpu.memref_squeeze %dma_start3A : memref<1x!tpu.dma_semaphore, #tpu.memory_space<semaphore_mem>> -> memref<!tpu.dma_semaphore, #tpu.memory_space<semaphore_mem>>
    %dma_start3A_20 = arith.constant 0 : i32
    %dma_start3A_21 = arith.constant 0 : i32
    %dma_start3A_22 = tpu.memref_slice %arg3[%arg0, %dma_start3A_20, %dma_start3A_21] : memref<512x512x256xf32, #tpu.memory_space<any>> -> memref<1x512x256xf32, #tpu.memory_space<any>>
    %dma_start3A_23 = tpu.memref_squeeze %dma_start3A_22 : memref<1x512x256xf32, #tpu.memory_space<any>> -> memref<512x256xf32, #tpu.memory_space<any>>
    %dma_start3A_24 = arith.constant 0 : i32
    %dma_start3A_25 = tpu.memref_slice %arg4[%rem3A_3, %multiple_of3A, %dma_start3A_24] : memref<8x1024x256xf32, #tpu.memory_space<vmem>> -> memref<1x512x256xf32, #tpu.memory_space<vmem>>
    %dma_start3A_26 = tpu.memref_squeeze %dma_start3A_25 : memref<1x512x256xf32, #tpu.memory_space<vmem>> -> memref<512x256xf32, #tpu.memory_space<vmem>>
    tpu.enqueue_dma source(%dma_start3A_26 : memref<512x256xf32, #tpu.memory_space<vmem>>) target(%dma_start3A_23 : memref<512x256xf32, #tpu.memory_space<any>>) target_semaphore(%dma_start3A_19 : memref<!tpu.dma_semaphore, #tpu.memory_space<semaphore_mem>>)
    %eq3A_27 = arith.constant 511 : i32
    %eq3A_28 = arith.cmpi eq, %arg0, %eq3A_27 : i32
    %convert_element_type3A_29 = arith.extui %eq3A_28 : i1 to i32
    %cond3A_30 = arith.constant 0 : i32
    %cond3A_31 = arith.cmpi ne, %convert_element_type3A_29, %cond3A_30 : i32
    scf.if %cond3A_31 {
      %dma_wait3A = arith.constant 0 : i32
      %dma_wait3A_32 = arith.constant 0 : i32
      %dma_wait3A_33 = arith.constant 0 : i32
      %dma_wait3A_34 = tpu.memref_slice %arg5[%dma_wait3A_33] : memref<16x!tpu.dma_semaphore, #tpu.memory_space<semaphore_mem>> -> memref<1x!tpu.dma_semaphore, #tpu.memory_space<semaphore_mem>>
      %dma_wait3A_35 = tpu.memref_squeeze %dma_wait3A_34 : memref<1x!tpu.dma_semaphore, #tpu.memory_space<semaphore_mem>> -> memref<!tpu.dma_semaphore, #tpu.memory_space<semaphore_mem>>
      %dma_wait3A_36 = arith.constant 0 : i32
      %dma_wait3A_37 = arith.constant 0 : i32
      %dma_wait3A_38 = tpu.memref_slice %arg3[%dma_wait3A_32, %dma_wait3A_36, %dma_wait3A_37] : memref<512x512x256xf32, #tpu.memory_space<any>> -> memref<1x512x256xf32, #tpu.memory_space<any>>
      %dma_wait3A_39 = tpu.memref_squeeze %dma_wait3A_38 : memref<1x512x256xf32, #tpu.memory_space<any>> -> memref<512x256xf32, #tpu.memory_space<any>>
      %dma_wait3A_40 = arith.constant 0 : i32
      %dma_wait3A_41 = arith.constant 0 : i32
      %dma_wait3A_42 = tpu.memref_slice %arg4[%dma_wait3A, %dma_wait3A_40, %dma_wait3A_41] : memref<8x1024x256xf32, #tpu.memory_space<vmem>> -> memref<1x512x256xf32, #tpu.memory_space<vmem>>
      %dma_wait3A_43 = tpu.memref_squeeze %dma_wait3A_42 : memref<1x512x256xf32, #tpu.memory_space<vmem>> -> memref<512x256xf32, #tpu.memory_space<vmem>>
      tpu.wait_dma2 semaphore(%dma_wait3A_35 : memref<!tpu.dma_semaphore, #tpu.memory_space<semaphore_mem>>) src(%dma_wait3A_43 : memref<512x256xf32, #tpu.memory_space<vmem>>) dst(%dma_wait3A_39 : memref<512x256xf32, #tpu.memory_space<any>>)
      %dma_wait3A_44 = arith.constant 0 : i32
      %dma_wait3A_45 = arith.constant 0 : i32
      %dma_wait3A_46 = arith.constant 1 : i32
      %dma_wait3A_47 = tpu.memref_slice %arg5[%dma_wait3A_46] : memref<16x!tpu.dma_semaphore, #tpu.memory_space<semaphore_mem>> -> memref<1x!tpu.dma_semaphore, #tpu.memory_space<semaphore_mem>>
      %dma_wait3A_48 = tpu.memref_squeeze %dma_wait3A_47 : memref<1x!tpu.dma_semaphore, #tpu.memory_space<semaphore_mem>> -> memref<!tpu.dma_semaphore, #tpu.memory_space<semaphore_mem>>
      %dma_wait3A_49 = arith.constant 0 : i32
      %dma_wait3A_50 = arith.constant 0 : i32
      %dma_wait3A_51 = tpu.memref_slice %arg3[%dma_wait3A_45, %dma_wait3A_49, %dma_wait3A_50] : memref<512x512x256xf32, #tpu.memory_space<any>> -> memref<1x512x256xf32, #tpu.memory_space<any>>
      %dma_wait3A_52 = tpu.memref_squeeze %dma_wait3A_51 : memref<1x512x256xf32, #tpu.memory_space<any>> -> memref<512x256xf32, #tpu.memory_space<any>>
      %dma_wait3A_53 = arith.constant 0 : i32
      %dma_wait3A_54 = arith.constant 0 : i32
      %dma_wait3A_55 = tpu.memref_slice %arg4[%dma_wait3A_44, %dma_wait3A_53, %dma_wait3A_54] : memref<8x1024x256xf32, #tpu.memory_space<vmem>> -> memref<1x512x256xf32, #tpu.memory_space<vmem>>
      %dma_wait3A_56 = tpu.memref_squeeze %dma_wait3A_55 : memref<1x512x256xf32, #tpu.memory_space<vmem>> -> memref<512x256xf32, #tpu.memory_space<vmem>>
      tpu.wait_dma2 semaphore(%dma_wait3A_48 : memref<!tpu.dma_semaphore, #tpu.memory_space<semaphore_mem>>) src(%dma_wait3A_56 : memref<512x256xf32, #tpu.memory_space<vmem>>) dst(%dma_wait3A_52 : memref<512x256xf32, #tpu.memory_space<any>>)
      %dma_wait3A_57 = arith.constant 0 : i32
      %dma_wait3A_58 = arith.constant 0 : i32
      %dma_wait3A_59 = arith.constant 2 : i32
      %dma_wait3A_60 = tpu.memref_slice %arg5[%dma_wait3A_59] : memref<16x!tpu.dma_semaphore, #tpu.memory_space<semaphore_mem>> -> memref<1x!tpu.dma_semaphore, #tpu.memory_space<semaphore_mem>>
      %dma_wait3A_61 = tpu.memref_squeeze %dma_wait3A_60 : memref<1x!tpu.dma_semaphore, #tpu.memory_space<semaphore_mem>> -> memref<!tpu.dma_semaphore, #tpu.memory_space<semaphore_mem>>
      %dma_wait3A_62 = arith.constant 0 : i32
      %dma_wait3A_63 = arith.constant 0 : i32
      %dma_wait3A_64 = tpu.memref_slice %arg3[%dma_wait3A_58, %dma_wait3A_62, %dma_wait3A_63] : memref<512x512x256xf32, #tpu.memory_space<any>> -> memref<1x512x256xf32, #tpu.memory_space<any>>
      %dma_wait3A_65 = tpu.memref_squeeze %dma_wait3A_64 : memref<1x512x256xf32, #tpu.memory_space<any>> -> memref<512x256xf32, #tpu.memory_space<any>>
      %dma_wait3A_66 = arith.constant 0 : i32
      %dma_wait3A_67 = arith.constant 0 : i32
      %dma_wait3A_68 = tpu.memref_slice %arg4[%dma_wait3A_57, %dma_wait3A_66, %dma_wait3A_67] : memref<8x1024x256xf32, #tpu.memory_space<vmem>> -> memref<1x512x256xf32, #tpu.memory_space<vmem>>
      %dma_wait3A_69 = tpu.memref_squeeze %dma_wait3A_68 : memref<1x512x256xf32, #tpu.memory_space<vmem>> -> memref<512x256xf32, #tpu.memory_space<vmem>>
      tpu.wait_dma2 semaphore(%dma_wait3A_61 : memref<!tpu.dma_semaphore, #tpu.memory_space<semaphore_mem>>) src(%dma_wait3A_69 : memref<512x256xf32, #tpu.memory_space<vmem>>) dst(%dma_wait3A_65 : memref<512x256xf32, #tpu.memory_space<any>>)
      %dma_wait3A_70 = arith.constant 0 : i32
      %dma_wait3A_71 = arith.constant 0 : i32
      %dma_wait3A_72 = arith.constant 3 : i32
      %dma_wait3A_73 = tpu.memref_slice %arg5[%dma_wait3A_72] : memref<16x!tpu.dma_semaphore, #tpu.memory_space<semaphore_mem>> -> memref<1x!tpu.dma_semaphore, #tpu.memory_space<semaphore_mem>>
      %dma_wait3A_74 = tpu.memref_squeeze %dma_wait3A_73 : memref<1x!tpu.dma_semaphore, #tpu.memory_space<semaphore_mem>> -> memref<!tpu.dma_semaphore, #tpu.memory_space<semaphore_mem>>
      %dma_wait3A_75 = arith.constant 0 : i32
      %dma_wait3A_76 = arith.constant 0 : i32
      %dma_wait3A_77 = tpu.memref_slice %arg3[%dma_wait3A_71, %dma_wait3A_75, %dma_wait3A_76] : memref<512x512x256xf32, #tpu.memory_space<any>> -> memref<1x512x256xf32, #tpu.memory_space<any>>
      %dma_wait3A_78 = tpu.memref_squeeze %dma_wait3A_77 : memref<1x512x256xf32, #tpu.memory_space<any>> -> memref<512x256xf32, #tpu.memory_space<any>>
      %dma_wait3A_79 = arith.constant 0 : i32
      %dma_wait3A_80 = arith.constant 0 : i32
      %dma_wait3A_81 = tpu.memref_slice %arg4[%dma_wait3A_70, %dma_wait3A_79, %dma_wait3A_80] : memref<8x1024x256xf32, #tpu.memory_space<vmem>> -> memref<1x512x256xf32, #tpu.memory_space<vmem>>
      %dma_wait3A_82 = tpu.memref_squeeze %dma_wait3A_81 : memref<1x512x256xf32, #tpu.memory_space<vmem>> -> memref<512x256xf32, #tpu.memory_space<vmem>>
      tpu.wait_dma2 semaphore(%dma_wait3A_74 : memref<!tpu.dma_semaphore, #tpu.memory_space<semaphore_mem>>) src(%dma_wait3A_82 : memref<512x256xf32, #tpu.memory_space<vmem>>) dst(%dma_wait3A_78 : memref<512x256xf32, #tpu.memory_space<any>>)
      %dma_wait3A_83 = arith.constant 0 : i32
      %dma_wait3A_84 = arith.constant 0 : i32
      %dma_wait3A_85 = arith.constant 4 : i32
      %dma_wait3A_86 = tpu.memref_slice %arg5[%dma_wait3A_85] : memref<16x!tpu.dma_semaphore, #tpu.memory_space<semaphore_mem>> -> memref<1x!tpu.dma_semaphore, #tpu.memory_space<semaphore_mem>>
      %dma_wait3A_87 = tpu.memref_squeeze %dma_wait3A_86 : memref<1x!tpu.dma_semaphore, #tpu.memory_space<semaphore_mem>> -> memref<!tpu.dma_semaphore, #tpu.memory_space<semaphore_mem>>
      %dma_wait3A_88 = arith.constant 0 : i32
      %dma_wait3A_89 = arith.constant 0 : i32
      %dma_wait3A_90 = tpu.memref_slice %arg3[%dma_wait3A_84, %dma_wait3A_88, %dma_wait3A_89] : memref<512x512x256xf32, #tpu.memory_space<any>> -> memref<1x512x256xf32, #tpu.memory_space<any>>
      %dma_wait3A_91 = tpu.memref_squeeze %dma_wait3A_90 : memref<1x512x256xf32, #tpu.memory_space<any>> -> memref<512x256xf32, #tpu.memory_space<any>>
      %dma_wait3A_92 = arith.constant 0 : i32
      %dma_wait3A_93 = arith.constant 0 : i32
      %dma_wait3A_94 = tpu.memref_slice %arg4[%dma_wait3A_83, %dma_wait3A_92, %dma_wait3A_93] : memref<8x1024x256xf32, #tpu.memory_space<vmem>> -> memref<1x512x256xf32, #tpu.memory_space<vmem>>
      %dma_wait3A_95 = tpu.memref_squeeze %dma_wait3A_94 : memref<1x512x256xf32, #tpu.memory_space<vmem>> -> memref<512x256xf32, #tpu.memory_space<vmem>>
      tpu.wait_dma2 semaphore(%dma_wait3A_87 : memref<!tpu.dma_semaphore, #tpu.memory_space<semaphore_mem>>) src(%dma_wait3A_95 : memref<512x256xf32, #tpu.memory_space<vmem>>) dst(%dma_wait3A_91 : memref<512x256xf32, #tpu.memory_space<any>>)
      %dma_wait3A_96 = arith.constant 0 : i32
      %dma_wait3A_97 = arith.constant 0 : i32
      %dma_wait3A_98 = arith.constant 5 : i32
      %dma_wait3A_99 = tpu.memref_slice %arg5[%dma_wait3A_98] : memref<16x!tpu.dma_semaphore, #tpu.memory_space<semaphore_mem>> -> memref<1x!tpu.dma_semaphore, #tpu.memory_space<semaphore_mem>>
      %dma_wait3A_100 = tpu.memref_squeeze %dma_wait3A_99 : memref<1x!tpu.dma_semaphore, #tpu.memory_space<semaphore_mem>> -> memref<!tpu.dma_semaphore, #tpu.memory_space<semaphore_mem>>
      %dma_wait3A_101 = arith.constant 0 : i32
      %dma_wait3A_102 = arith.constant 0 : i32
      %dma_wait3A_103 = tpu.memref_slice %arg3[%dma_wait3A_97, %dma_wait3A_101, %dma_wait3A_102] : memref<512x512x256xf32, #tpu.memory_space<any>> -> memref<1x512x256xf32, #tpu.memory_space<any>>
      %dma_wait3A_104 = tpu.memref_squeeze %dma_wait3A_103 : memref<1x512x256xf32, #tpu.memory_space<any>> -> memref<512x256xf32, #tpu.memory_space<any>>
      %dma_wait3A_105 = arith.constant 0 : i32
      %dma_wait3A_106 = arith.constant 0 : i32
      %dma_wait3A_107 = tpu.memref_slice %arg4[%dma_wait3A_96, %dma_wait3A_105, %dma_wait3A_106] : memref<8x1024x256xf32, #tpu.memory_space<vmem>> -> memref<1x512x256xf32, #tpu.memory_space<vmem>>
      %dma_wait3A_108 = tpu.memref_squeeze %dma_wait3A_107 : memref<1x512x256xf32, #tpu.memory_space<vmem>> -> memref<512x256xf32, #tpu.memory_space<vmem>>
      tpu.wait_dma2 semaphore(%dma_wait3A_100 : memref<!tpu.dma_semaphore, #tpu.memory_space<semaphore_mem>>) src(%dma_wait3A_108 : memref<512x256xf32, #tpu.memory_space<vmem>>) dst(%dma_wait3A_104 : memref<512x256xf32, #tpu.memory_space<any>>)
      %dma_wait3A_109 = arith.constant 0 : i32
      %dma_wait3A_110 = arith.constant 0 : i32
      %dma_wait3A_111 = arith.constant 6 : i32
      %dma_wait3A_112 = tpu.memref_slice %arg5[%dma_wait3A_111] : memref<16x!tpu.dma_semaphore, #tpu.memory_space<semaphore_mem>> -> memref<1x!tpu.dma_semaphore, #tpu.memory_space<semaphore_mem>>
      %dma_wait3A_113 = tpu.memref_squeeze %dma_wait3A_112 : memref<1x!tpu.dma_semaphore, #tpu.memory_space<semaphore_mem>> -> memref<!tpu.dma_semaphore, #tpu.memory_space<semaphore_mem>>
      %dma_wait3A_114 = arith.constant 0 : i32
      %dma_wait3A_115 = arith.constant 0 : i32
      %dma_wait3A_116 = tpu.memref_slice %arg3[%dma_wait3A_110, %dma_wait3A_114, %dma_wait3A_115] : memref<512x512x256xf32, #tpu.memory_space<any>> -> memref<1x512x256xf32, #tpu.memory_space<any>>
      %dma_wait3A_117 = tpu.memref_squeeze %dma_wait3A_116 : memref<1x512x256xf32, #tpu.memory_space<any>> -> memref<512x256xf32, #tpu.memory_space<any>>
      %dma_wait3A_118 = arith.constant 0 : i32
      %dma_wait3A_119 = arith.constant 0 : i32
      %dma_wait3A_120 = tpu.memref_slice %arg4[%dma_wait3A_109, %dma_wait3A_118, %dma_wait3A_119] : memref<8x1024x256xf32, #tpu.memory_space<vmem>> -> memref<1x512x256xf32, #tpu.memory_space<vmem>>
      %dma_wait3A_121 = tpu.memref_squeeze %dma_wait3A_120 : memref<1x512x256xf32, #tpu.memory_space<vmem>> -> memref<512x256xf32, #tpu.memory_space<vmem>>
      tpu.wait_dma2 semaphore(%dma_wait3A_113 : memref<!tpu.dma_semaphore, #tpu.memory_space<semaphore_mem>>) src(%dma_wait3A_121 : memref<512x256xf32, #tpu.memory_space<vmem>>) dst(%dma_wait3A_117 : memref<512x256xf32, #tpu.memory_space<any>>)
      %dma_wait3A_122 = arith.constant 0 : i32
      %dma_wait3A_123 = arith.constant 0 : i32
      %dma_wait3A_124 = arith.constant 7 : i32
      %dma_wait3A_125 = tpu.memref_slice %arg5[%dma_wait3A_124] : memref<16x!tpu.dma_semaphore, #tpu.memory_space<semaphore_mem>> -> memref<1x!tpu.dma_semaphore, #tpu.memory_space<semaphore_mem>>
      %dma_wait3A_126 = tpu.memref_squeeze %dma_wait3A_125 : memref<1x!tpu.dma_semaphore, #tpu.memory_space<semaphore_mem>> -> memref<!tpu.dma_semaphore, #tpu.memory_space<semaphore_mem>>
      %dma_wait3A_127 = arith.constant 0 : i32
      %dma_wait3A_128 = arith.constant 0 : i32
      %dma_wait3A_129 = tpu.memref_slice %arg3[%dma_wait3A_123, %dma_wait3A_127, %dma_wait3A_128] : memref<512x512x256xf32, #tpu.memory_space<any>> -> memref<1x512x256xf32, #tpu.memory_space<any>>
      %dma_wait3A_130 = tpu.memref_squeeze %dma_wait3A_129 : memref<1x512x256xf32, #tpu.memory_space<any>> -> memref<512x256xf32, #tpu.memory_space<any>>
      %dma_wait3A_131 = arith.constant 0 : i32
      %dma_wait3A_132 = arith.constant 0 : i32
      %dma_wait3A_133 = tpu.memref_slice %arg4[%dma_wait3A_122, %dma_wait3A_131, %dma_wait3A_132] : memref<8x1024x256xf32, #tpu.memory_space<vmem>> -> memref<1x512x256xf32, #tpu.memory_space<vmem>>
      %dma_wait3A_134 = tpu.memref_squeeze %dma_wait3A_133 : memref<1x512x256xf32, #tpu.memory_space<vmem>> -> memref<512x256xf32, #tpu.memory_space<vmem>>
      tpu.wait_dma2 semaphore(%dma_wait3A_126 : memref<!tpu.dma_semaphore, #tpu.memory_space<semaphore_mem>>) src(%dma_wait3A_134 : memref<512x256xf32, #tpu.memory_space<vmem>>) dst(%dma_wait3A_130 : memref<512x256xf32, #tpu.memory_space<any>>)
      %dma_wait3A_135 = arith.constant 0 : i32
      %dma_wait3A_136 = arith.constant 0 : i32
      %dma_wait3A_137 = arith.constant 8 : i32
      %dma_wait3A_138 = tpu.memref_slice %arg5[%dma_wait3A_137] : memref<16x!tpu.dma_semaphore, #tpu.memory_space<semaphore_mem>> -> memref<1x!tpu.dma_semaphore, #tpu.memory_space<semaphore_mem>>
      %dma_wait3A_139 = tpu.memref_squeeze %dma_wait3A_138 : memref<1x!tpu.dma_semaphore, #tpu.memory_space<semaphore_mem>> -> memref<!tpu.dma_semaphore, #tpu.memory_space<semaphore_mem>>
      %dma_wait3A_140 = arith.constant 0 : i32
      %dma_wait3A_141 = arith.constant 0 : i32
      %dma_wait3A_142 = tpu.memref_slice %arg3[%dma_wait3A_136, %dma_wait3A_140, %dma_wait3A_141] : memref<512x512x256xf32, #tpu.memory_space<any>> -> memref<1x512x256xf32, #tpu.memory_space<any>>
      %dma_wait3A_143 = tpu.memref_squeeze %dma_wait3A_142 : memref<1x512x256xf32, #tpu.memory_space<any>> -> memref<512x256xf32, #tpu.memory_space<any>>
      %dma_wait3A_144 = arith.constant 0 : i32
      %dma_wait3A_145 = arith.constant 0 : i32
      %dma_wait3A_146 = tpu.memref_slice %arg4[%dma_wait3A_135, %dma_wait3A_144, %dma_wait3A_145] : memref<8x1024x256xf32, #tpu.memory_space<vmem>> -> memref<1x512x256xf32, #tpu.memory_space<vmem>>
      %dma_wait3A_147 = tpu.memref_squeeze %dma_wait3A_146 : memref<1x512x256xf32, #tpu.memory_space<vmem>> -> memref<512x256xf32, #tpu.memory_space<vmem>>
      tpu.wait_dma2 semaphore(%dma_wait3A_139 : memref<!tpu.dma_semaphore, #tpu.memory_space<semaphore_mem>>) src(%dma_wait3A_147 : memref<512x256xf32, #tpu.memory_space<vmem>>) dst(%dma_wait3A_143 : memref<512x256xf32, #tpu.memory_space<any>>)
      %dma_wait3A_148 = arith.constant 0 : i32
      %dma_wait3A_149 = arith.constant 0 : i32
      %dma_wait3A_150 = arith.constant 9 : i32
      %dma_wait3A_151 = tpu.memref_slice %arg5[%dma_wait3A_150] : memref<16x!tpu.dma_semaphore, #tpu.memory_space<semaphore_mem>> -> memref<1x!tpu.dma_semaphore, #tpu.memory_space<semaphore_mem>>
      %dma_wait3A_152 = tpu.memref_squeeze %dma_wait3A_151 : memref<1x!tpu.dma_semaphore, #tpu.memory_space<semaphore_mem>> -> memref<!tpu.dma_semaphore, #tpu.memory_space<semaphore_mem>>
      %dma_wait3A_153 = arith.constant 0 : i32
      %dma_wait3A_154 = arith.constant 0 : i32
      %dma_wait3A_155 = tpu.memref_slice %arg3[%dma_wait3A_149, %dma_wait3A_153, %dma_wait3A_154] : memref<512x512x256xf32, #tpu.memory_space<any>> -> memref<1x512x256xf32, #tpu.memory_space<any>>
      %dma_wait3A_156 = tpu.memref_squeeze %dma_wait3A_155 : memref<1x512x256xf32, #tpu.memory_space<any>> -> memref<512x256xf32, #tpu.memory_space<any>>
      %dma_wait3A_157 = arith.constant 0 : i32
      %dma_wait3A_158 = arith.constant 0 : i32
      %dma_wait3A_159 = tpu.memref_slice %arg4[%dma_wait3A_148, %dma_wait3A_157, %dma_wait3A_158] : memref<8x1024x256xf32, #tpu.memory_space<vmem>> -> memref<1x512x256xf32, #tpu.memory_space<vmem>>
      %dma_wait3A_160 = tpu.memref_squeeze %dma_wait3A_159 : memref<1x512x256xf32, #tpu.memory_space<vmem>> -> memref<512x256xf32, #tpu.memory_space<vmem>>
      tpu.wait_dma2 semaphore(%dma_wait3A_152 : memref<!tpu.dma_semaphore, #tpu.memory_space<semaphore_mem>>) src(%dma_wait3A_160 : memref<512x256xf32, #tpu.memory_space<vmem>>) dst(%dma_wait3A_156 : memref<512x256xf32, #tpu.memory_space<any>>)
      %dma_wait3A_161 = arith.constant 0 : i32
      %dma_wait3A_162 = arith.constant 0 : i32
      %dma_wait3A_163 = arith.constant 10 : i32
      %dma_wait3A_164 = tpu.memref_slice %arg5[%dma_wait3A_163] : memref<16x!tpu.dma_semaphore, #tpu.memory_space<semaphore_mem>> -> memref<1x!tpu.dma_semaphore, #tpu.memory_space<semaphore_mem>>
      %dma_wait3A_165 = tpu.memref_squeeze %dma_wait3A_164 : memref<1x!tpu.dma_semaphore, #tpu.memory_space<semaphore_mem>> -> memref<!tpu.dma_semaphore, #tpu.memory_space<semaphore_mem>>
      %dma_wait3A_166 = arith.constant 0 : i32
      %dma_wait3A_167 = arith.constant 0 : i32
      %dma_wait3A_168 = tpu.memref_slice %arg3[%dma_wait3A_162, %dma_wait3A_166, %dma_wait3A_167] : memref<512x512x256xf32, #tpu.memory_space<any>> -> memref<1x512x256xf32, #tpu.memory_space<any>>
      %dma_wait3A_169 = tpu.memref_squeeze %dma_wait3A_168 : memref<1x512x256xf32, #tpu.memory_space<any>> -> memref<512x256xf32, #tpu.memory_space<any>>
      %dma_wait3A_170 = arith.constant 0 : i32
      %dma_wait3A_171 = arith.constant 0 : i32
      %dma_wait3A_172 = tpu.memref_slice %arg4[%dma_wait3A_161, %dma_wait3A_170, %dma_wait3A_171] : memref<8x1024x256xf32, #tpu.memory_space<vmem>> -> memref<1x512x256xf32, #tpu.memory_space<vmem>>
      %dma_wait3A_173 = tpu.memref_squeeze %dma_wait3A_172 : memref<1x512x256xf32, #tpu.memory_space<vmem>> -> memref<512x256xf32, #tpu.memory_space<vmem>>
      tpu.wait_dma2 semaphore(%dma_wait3A_165 : memref<!tpu.dma_semaphore, #tpu.memory_space<semaphore_mem>>) src(%dma_wait3A_173 : memref<512x256xf32, #tpu.memory_space<vmem>>) dst(%dma_wait3A_169 : memref<512x256xf32, #tpu.memory_space<any>>)
      %dma_wait3A_174 = arith.constant 0 : i32
      %dma_wait3A_175 = arith.constant 0 : i32
      %dma_wait3A_176 = arith.constant 11 : i32
      %dma_wait3A_177 = tpu.memref_slice %arg5[%dma_wait3A_176] : memref<16x!tpu.dma_semaphore, #tpu.memory_space<semaphore_mem>> -> memref<1x!tpu.dma_semaphore, #tpu.memory_space<semaphore_mem>>
      %dma_wait3A_178 = tpu.memref_squeeze %dma_wait3A_177 : memref<1x!tpu.dma_semaphore, #tpu.memory_space<semaphore_mem>> -> memref<!tpu.dma_semaphore, #tpu.memory_space<semaphore_mem>>
      %dma_wait3A_179 = arith.constant 0 : i32
      %dma_wait3A_180 = arith.constant 0 : i32
      %dma_wait3A_181 = tpu.memref_slice %arg3[%dma_wait3A_175, %dma_wait3A_179, %dma_wait3A_180] : memref<512x512x256xf32, #tpu.memory_space<any>> -> memref<1x512x256xf32, #tpu.memory_space<any>>
      %dma_wait3A_182 = tpu.memref_squeeze %dma_wait3A_181 : memref<1x512x256xf32, #tpu.memory_space<any>> -> memref<512x256xf32, #tpu.memory_space<any>>
      %dma_wait3A_183 = arith.constant 0 : i32
      %dma_wait3A_184 = arith.constant 0 : i32
      %dma_wait3A_185 = tpu.memref_slice %arg4[%dma_wait3A_174, %dma_wait3A_183, %dma_wait3A_184] : memref<8x1024x256xf32, #tpu.memory_space<vmem>> -> memref<1x512x256xf32, #tpu.memory_space<vmem>>
      %dma_wait3A_186 = tpu.memref_squeeze %dma_wait3A_185 : memref<1x512x256xf32, #tpu.memory_space<vmem>> -> memref<512x256xf32, #tpu.memory_space<vmem>>
      tpu.wait_dma2 semaphore(%dma_wait3A_178 : memref<!tpu.dma_semaphore, #tpu.memory_space<semaphore_mem>>) src(%dma_wait3A_186 : memref<512x256xf32, #tpu.memory_space<vmem>>) dst(%dma_wait3A_182 : memref<512x256xf32, #tpu.memory_space<any>>)
      %dma_wait3A_187 = arith.constant 0 : i32
      %dma_wait3A_188 = arith.constant 0 : i32
      %dma_wait3A_189 = arith.constant 12 : i32
      %dma_wait3A_190 = tpu.memref_slice %arg5[%dma_wait3A_189] : memref<16x!tpu.dma_semaphore, #tpu.memory_space<semaphore_mem>> -> memref<1x!tpu.dma_semaphore, #tpu.memory_space<semaphore_mem>>
      %dma_wait3A_191 = tpu.memref_squeeze %dma_wait3A_190 : memref<1x!tpu.dma_semaphore, #tpu.memory_space<semaphore_mem>> -> memref<!tpu.dma_semaphore, #tpu.memory_space<semaphore_mem>>
      %dma_wait3A_192 = arith.constant 0 : i32
      %dma_wait3A_193 = arith.constant 0 : i32
      %dma_wait3A_194 = tpu.memref_slice %arg3[%dma_wait3A_188, %dma_wait3A_192, %dma_wait3A_193] : memref<512x512x256xf32, #tpu.memory_space<any>> -> memref<1x512x256xf32, #tpu.memory_space<any>>
      %dma_wait3A_195 = tpu.memref_squeeze %dma_wait3A_194 : memref<1x512x256xf32, #tpu.memory_space<any>> -> memref<512x256xf32, #tpu.memory_space<any>>
      %dma_wait3A_196 = arith.constant 0 : i32
      %dma_wait3A_197 = arith.constant 0 : i32
      %dma_wait3A_198 = tpu.memref_slice %arg4[%dma_wait3A_187, %dma_wait3A_196, %dma_wait3A_197] : memref<8x1024x256xf32, #tpu.memory_space<vmem>> -> memref<1x512x256xf32, #tpu.memory_space<vmem>>
      %dma_wait3A_199 = tpu.memref_squeeze %dma_wait3A_198 : memref<1x512x256xf32, #tpu.memory_space<vmem>> -> memref<512x256xf32, #tpu.memory_space<vmem>>
      tpu.wait_dma2 semaphore(%dma_wait3A_191 : memref<!tpu.dma_semaphore, #tpu.memory_space<semaphore_mem>>) src(%dma_wait3A_199 : memref<512x256xf32, #tpu.memory_space<vmem>>) dst(%dma_wait3A_195 : memref<512x256xf32, #tpu.memory_space<any>>)
      %dma_wait3A_200 = arith.constant 0 : i32
      %dma_wait3A_201 = arith.constant 0 : i32
      %dma_wait3A_202 = arith.constant 13 : i32
      %dma_wait3A_203 = tpu.memref_slice %arg5[%dma_wait3A_202] : memref<16x!tpu.dma_semaphore, #tpu.memory_space<semaphore_mem>> -> memref<1x!tpu.dma_semaphore, #tpu.memory_space<semaphore_mem>>
      %dma_wait3A_204 = tpu.memref_squeeze %dma_wait3A_203 : memref<1x!tpu.dma_semaphore, #tpu.memory_space<semaphore_mem>> -> memref<!tpu.dma_semaphore, #tpu.memory_space<semaphore_mem>>
      %dma_wait3A_205 = arith.constant 0 : i32
      %dma_wait3A_206 = arith.constant 0 : i32
      %dma_wait3A_207 = tpu.memref_slice %arg3[%dma_wait3A_201, %dma_wait3A_205, %dma_wait3A_206] : memref<512x512x256xf32, #tpu.memory_space<any>> -> memref<1x512x256xf32, #tpu.memory_space<any>>
      %dma_wait3A_208 = tpu.memref_squeeze %dma_wait3A_207 : memref<1x512x256xf32, #tpu.memory_space<any>> -> memref<512x256xf32, #tpu.memory_space<any>>
      %dma_wait3A_209 = arith.constant 0 : i32
      %dma_wait3A_210 = arith.constant 0 : i32
      %dma_wait3A_211 = tpu.memref_slice %arg4[%dma_wait3A_200, %dma_wait3A_209, %dma_wait3A_210] : memref<8x1024x256xf32, #tpu.memory_space<vmem>> -> memref<1x512x256xf32, #tpu.memory_space<vmem>>
      %dma_wait3A_212 = tpu.memref_squeeze %dma_wait3A_211 : memref<1x512x256xf32, #tpu.memory_space<vmem>> -> memref<512x256xf32, #tpu.memory_space<vmem>>
      tpu.wait_dma2 semaphore(%dma_wait3A_204 : memref<!tpu.dma_semaphore, #tpu.memory_space<semaphore_mem>>) src(%dma_wait3A_212 : memref<512x256xf32, #tpu.memory_space<vmem>>) dst(%dma_wait3A_208 : memref<512x256xf32, #tpu.memory_space<any>>)
      %dma_wait3A_213 = arith.constant 0 : i32
      %dma_wait3A_214 = arith.constant 0 : i32
      %dma_wait3A_215 = arith.constant 14 : i32
      %dma_wait3A_216 = tpu.memref_slice %arg5[%dma_wait3A_215] : memref<16x!tpu.dma_semaphore, #tpu.memory_space<semaphore_mem>> -> memref<1x!tpu.dma_semaphore, #tpu.memory_space<semaphore_mem>>
      %dma_wait3A_217 = tpu.memref_squeeze %dma_wait3A_216 : memref<1x!tpu.dma_semaphore, #tpu.memory_space<semaphore_mem>> -> memref<!tpu.dma_semaphore, #tpu.memory_space<semaphore_mem>>
      %dma_wait3A_218 = arith.constant 0 : i32
      %dma_wait3A_219 = arith.constant 0 : i32
      %dma_wait3A_220 = tpu.memref_slice %arg3[%dma_wait3A_214, %dma_wait3A_218, %dma_wait3A_219] : memref<512x512x256xf32, #tpu.memory_space<any>> -> memref<1x512x256xf32, #tpu.memory_space<any>>
      %dma_wait3A_221 = tpu.memref_squeeze %dma_wait3A_220 : memref<1x512x256xf32, #tpu.memory_space<any>> -> memref<512x256xf32, #tpu.memory_space<any>>
      %dma_wait3A_222 = arith.constant 0 : i32
      %dma_wait3A_223 = arith.constant 0 : i32
      %dma_wait3A_224 = tpu.memref_slice %arg4[%dma_wait3A_213, %dma_wait3A_222, %dma_wait3A_223] : memref<8x1024x256xf32, #tpu.memory_space<vmem>> -> memref<1x512x256xf32, #tpu.memory_space<vmem>>
      %dma_wait3A_225 = tpu.memref_squeeze %dma_wait3A_224 : memref<1x512x256xf32, #tpu.memory_space<vmem>> -> memref<512x256xf32, #tpu.memory_space<vmem>>
      tpu.wait_dma2 semaphore(%dma_wait3A_217 : memref<!tpu.dma_semaphore, #tpu.memory_space<semaphore_mem>>) src(%dma_wait3A_225 : memref<512x256xf32, #tpu.memory_space<vmem>>) dst(%dma_wait3A_221 : memref<512x256xf32, #tpu.memory_space<any>>)
      %dma_wait3A_226 = arith.constant 0 : i32
      %dma_wait3A_227 = arith.constant 0 : i32
      %dma_wait3A_228 = arith.constant 15 : i32
      %dma_wait3A_229 = tpu.memref_slice %arg5[%dma_wait3A_228] : memref<16x!tpu.dma_semaphore, #tpu.memory_space<semaphore_mem>> -> memref<1x!tpu.dma_semaphore, #tpu.memory_space<semaphore_mem>>
      %dma_wait3A_230 = tpu.memref_squeeze %dma_wait3A_229 : memref<1x!tpu.dma_semaphore, #tpu.memory_space<semaphore_mem>> -> memref<!tpu.dma_semaphore, #tpu.memory_space<semaphore_mem>>
      %dma_wait3A_231 = arith.constant 0 : i32
      %dma_wait3A_232 = arith.constant 0 : i32
      %dma_wait3A_233 = tpu.memref_slice %arg3[%dma_wait3A_227, %dma_wait3A_231, %dma_wait3A_232] : memref<512x512x256xf32, #tpu.memory_space<any>> -> memref<1x512x256xf32, #tpu.memory_space<any>>
      %dma_wait3A_234 = tpu.memref_squeeze %dma_wait3A_233 : memref<1x512x256xf32, #tpu.memory_space<any>> -> memref<512x256xf32, #tpu.memory_space<any>>
      %dma_wait3A_235 = arith.constant 0 : i32
      %dma_wait3A_236 = arith.constant 0 : i32
      %dma_wait3A_237 = tpu.memref_slice %arg4[%dma_wait3A_226, %dma_wait3A_235, %dma_wait3A_236] : memref<8x1024x256xf32, #tpu.memory_space<vmem>> -> memref<1x512x256xf32, #tpu.memory_space<vmem>>
      %dma_wait3A_238 = tpu.memref_squeeze %dma_wait3A_237 : memref<1x512x256xf32, #tpu.memory_space<vmem>> -> memref<512x256xf32, #tpu.memory_space<vmem>>
      tpu.wait_dma2 semaphore(%dma_wait3A_230 : memref<!tpu.dma_semaphore, #tpu.memory_space<semaphore_mem>>) src(%dma_wait3A_238 : memref<512x256xf32, #tpu.memory_space<vmem>>) dst(%dma_wait3A_234 : memref<512x256xf32, #tpu.memory_space<any>>)
    } else {
    }
    return
  }
  func.func @transform_0(%arg0: i32, %arg1: memref<1xi32, #tpu.memory_space<smem>>) -> (i32, i32) {
    %c0_i32 = arith.constant 0 : i32
    %c0_i32_0 = arith.constant 0 : i32
    %c0_i32_1 = arith.constant 0 : i32
    return %c0_i32, %c0_i32_0 : i32, i32
  }
}

</mosaic_0001>

<sc_bundles>
// kernel: kernel.4.cloned.1.call-start
scs
__scs_entry_jumppad:
0x0: {  	(pc) =	sbr.rel $0x88, $3  }
0x1: {  	(tag) =	ssettag $0x0;
	lr =	simm.s32 $0x1  }
0x2: {  	[smem:$0x3F9F] =	sst lr;
	_ =	strace $0xD0000000  }
0x3: {  	_ = 	snop  }
0x4: {  	_ = 	snop  }
0x5: {  	_ = 	snop  }
0x6: {  	_ = 	snop  }
0x7: {  	_ = 	snop  }
__scs_overlays_trampoline_lowered:
0x8: {  	[smem:$0x3FAE] =	sst s0  }
0x9: {  	[smem:$0x3FAF] =	sst s1  }
0xa: {  	[smem:$0x3FB0] =	sst s2  }
0xb: {  	[smem:$0x3FB1] =	sst s3  }
0xc: {  	[smem:$0x3FB2] =	sst s4  }
0xd: {  	[smem:$0x3FB3] =	sst s5  }
0xe: {  	[smem:$0x3FB4] =	sst s6  }
0xf: {  	[smem:$0x3FB5] =	sst s7  }
0x10: {  	[smem:$0x3FB6] =	sst s8  }
0x11: {  	[smem:$0x3FB7] =	sst s9;
	s0 =	simm.s32 @!p0 $0x0  }
0x12: {  	s1 =	sld [smem:$0x3F9D];
	s0 =	simm.s32 @p0 $0x1  }
0x13: {  	[smem:$0x3FB8] =	sst s0;
	s0 =	simm.s32 @!p1 $0x0  }
0x14: {  	s2 =	sld [smem:$0x3F9C];
	s0 =	simm.s32 @p1 $0x1  }
0x15: {  	[smem:$0x3FB9] =	sst s0;
	s0 =	simm.s32 @!p2 $0x0  }
0x16: {  	s3 =	sld [smem:$0x3FDB];
	s0 =	simm.s32 @p2 $0x1  }
0x17: {  	s4 =	simm.s32 $0x1BF5;
	[smem:$0x3FBB] =	sst s0  }
0x18: {  	s0 =	sld [smem:$0x3F9E];
	_ =	swait.ge [sflag:s4], $0x0  }
0x19: {  	s7 =	sld [smem:$0x3F9F]  }
0x1a: {  	s8 =	sadd.s32 $0xFFFFE003, lr  }
0x1b: {  	s9 =	sadd.s32 $0xFFFFFEF7, lr;
	s5 =	simm.s32 $0xFFFFFFFF;
	p2 =	slt.u32 s8, $0xFFFFF086  }
0x1c: {  	p1 =	slt.u32 s9, $0xF7A;
	s5 =	simm.s32 @!p2 $0x0  }
0x1d: {  	s5 =	simm.s32 @p1 $0x1;
	p0 =	seq.s32 s7, s2  }
0x1e: {  	s7 =	smul.u32 @!p0 $0xF7A, s2;
	p2 =	seq.s32 @!p0 s5, $0x0  }
0x1f: {  	s9 =	smul.u32 $0xF7A, s1;
	s8 =	simm.s32 @!p0 $0x1BF5;
	p2 =	por !p2, p0  }
0x20: {  	[sflag:s8] =	ssyncset.s32 @!p0 $0xFFFFF086;
	s6 =	sadd.s32 @!p0 s3, s7;
	s7 =	simm.s32 @!p0 $0x108  }
0x21: {  	s3 =	sadd.s32 s3, s9;
	s6 =	sadd.s32 @!p0 $0x88, s6;
	s7 =	simm.s32 @p2 $0x1082  }
0x22: {  	[simem:s7], [sflag:s8] =	dma.local @!p0 [hbm:s6], $0xF7A  }
0x23: {  	s9 =	sor.u32 $0xD0000000, s2;
	s6 =	simm.s32 $0x108;
	_ =	swait.ge @!p0 [sflag:s8], $0x0  }
0x24: {  	s3 =	sadd.s32 $0x88, s3;
	s6 =	simm.s32 @!p1 $0x1082;
	[sflag:s4] =	ssyncset.s32 $0xFFFFF086  }
0x25: {  	[simem:s6], [sflag:s4] =	dma.local [hbm:s3], $0xF7A  }
0x26: {  	[smem:$0x3F9F] =	sst s1;
	(tag) =	ssettag s2;
	_ =	strace s9  }
0x27: {  	s1 =	sld [smem:$0x3FAF]  }
0x28: {  	s2 =	sld [smem:$0x3FB0]  }
0x29: {  	s4 =	sld [smem:$0x3FB2]  }
0x2a: {  	p0 =	seq.s32 s5, $0x0;
	s5 =	sld [smem:$0x3FB3]  }
0x2b: {  	s6 =	sld [smem:$0x3FB4]  }
0x2c: {  	s7 =	sld [smem:$0x3FB5]  }
0x2d: {  	s3 =	simm.s32 $0x108;
	s8 =	sld [smem:$0x3FB6]  }
0x2e: {  	s3 =	simm.s32 @!p0 $0x1082;
	s9 =	sld [smem:$0x3FB7]  }
0x2f: {  	lr =	sadd.s32 s0, s3;
	s0 =	sld [smem:$0x3FAE]  }
0x30: {  	s3 =	sld [smem:$0x3FB1]  }
0x31: {  	[smem:$0x3FBA] =	sst s10  }
0x32: {  	s10 =	sld [smem:$0x3FB8];
	_ =	sdelay $0x3  }
0x33: {  	p0 =	seq.s32 s10, $0x1;
	s10 =	sld [smem:$0x3FBA];
	_ =	sdelay $0x3  }
0x34: {  	[smem:$0x3FBA] =	sst s10  }
0x35: {  	s10 =	sld [smem:$0x3FB9];
	_ =	sdelay $0x3  }
0x36: {  	p1 =	seq.s32 s10, $0x1;
	s10 =	sld [smem:$0x3FBA];
	_ =	sdelay $0x3  }
0x37: {  	[smem:$0x3FBA] =	sst s10  }
0x38: {  	s10 =	sld [smem:$0x3FBB]  }
0x39: {  	_ = 	snop;
	(pc) =	sbr.ind lr, $3  }
0x3a: {  	_ = 	snop  }
0x3b: {  	_ = 	snop  }
0x3c: {  	p2 =	seq.s32 s10, $0x1;
	s10 =	sld [smem:$0x3FBA]  }
0x3d: {  	_ =	shalt  }
0x3e: {  	_ =	shalt  }
0x3f: {  	_ =	shalt  }
0x40: {  	_ =	shalt  }
0x41: {  	_ =	shalt  }
0x42: {  	_ =	shalt  }
0x43: {  	_ =	shalt  }
0x44: {  	_ =	shalt  }
0x45: {  	_ =	shalt  }
0x46: {  	_ =	shalt  }
0x47: {  	_ =	shalt  }
0x48: {  	_ =	shalt  }
0x49: {  	_ =	shalt  }
0x4a: {  	_ =	shalt  }
0x4b: {  	_ =	shalt  }
0x4c: {  	_ =	shalt  }
0x4d: {  	_ =	shalt  }
0x4e: {  	_ =	shalt  }
0x4f: {  	_ =	shalt  }
0x50: {  	_ =	shalt  }
0x51: {  	_ =	shalt  }
0x52: {  	_ =	shalt  }
0x53: {  	_ =	shalt  }
0x54: {  	_ =	shalt  }
0x55: {  	_ =	shalt  }
0x56: {  	_ =	shalt  }
0x57: {  	_ =	shalt  }
0x58: {  	_ =	shalt  }
0x59: {  	_ =	shalt  }
0x5a: {  	_ =	shalt  }
0x5b: {  	_ =	shalt  }
0x5c: {  	_ =	shalt  }
0x5d: {  	_ =	shalt  }
0x5e: {  	_ =	shalt  }
0x5f: {  	_ =	shalt  }
0x60: {  	_ =	shalt  }
0x61: {  	_ =	shalt  }
0x62: {  	_ =	shalt  }
0x63: {  	_ =	shalt  }
0x64: {  	_ =	shalt  }
0x65: {  	_ =	shalt  }
0x66: {  	_ =	shalt  }
0x67: {  	_ =	shalt  }
0x68: {  	_ =	shalt  }
0x69: {  	_ =	shalt  }
0x6a: {  	_ =	shalt  }
0x6b: {  	_ =	shalt  }
0x6c: {  	_ =	shalt  }
0x6d: {  	_ =	shalt  }
0x6e: {  	_ =	shalt  }
0x6f: {  	_ =	shalt  }
0x70: {  	_ =	shalt  }
0x71: {  	_ =	shalt  }
0x72: {  	_ =	shalt  }
0x73: {  	_ =	shalt  }
0x74: {  	_ =	shalt  }
0x75: {  	_ =	shalt  }
0x76: {  	_ =	shalt  }
0x77: {  	_ =	shalt  }
0x78: {  	_ =	shalt  }
0x79: {  	_ =	shalt  }
0x7a: {  	_ =	shalt  }
0x7b: {  	_ =	shalt  }
0x7c: {  	_ =	shalt  }
0x7d: {  	_ =	shalt  }
0x7e: {  	_ =	shalt  }
0x7f: {  	_ =	shalt  }
0x80: {  	_ =	shalt  }
0x81: {  	_ =	shalt  }
0x82: {  	_ =	shalt  }
0x83: {  	_ =	shalt  }
0x84: {  	_ =	shalt  }
0x85: {  	_ =	shalt  }
0x86: {  	_ =	shalt  }
0x87: {  	_ =	shalt  }
.Lfunc_end0:
.L_simem_size_0:
called_computation_lowered:
.L_overlay_start_0:
0x88: {  	s0 =	sld [smem:$0x3FD9]  }
0x89: {  	s1 =	sld [smem:$0x3FFE];
	_ =	sdelay $0x3  }
0x8a: {  	s0 =	sadd.s32 s1, s0  }
0x8b: {  	[smem:$0x3FC6] =	sst s0  }
0x8c: {  	_ = 	snop  }
0x8d: {  	s0 =	sld [smem:$0x3FD0];
	(tm) =	ssettm $0x1  }
0x8e: {  	s16 =	sld [smem:$0x3FFB];
	_ =	sdelay $0x3  }
0x8f: {  	_ =	strace s16  }
0x90: {  	s1 =	sld [smem:$0x3FFC];
	_ =	sdelay $0x3  }
0x91: {  	_ =	strace s1  }
0x92: {  	s1 =	sld [smem:$0x3FFD];
	_ =	sdelay $0x3  }
0x93: {  	_ =	strace s1  }
0x94: {  	_ =	strace $0x8FFFFFFF  }
0x95: {  	s17 =	sld [smem:$0x3FDB];
	_ =	sdelay $0x1  }
0x96: {  	s2 =	simm.s32 $_scs_section_size  }
0x97: {  	s3 =	simm.s32 $_size__tile_overlayer_lowered;
	s4 =	simm.s32 $_tile_overlayer_lowered  }
0x98: {  	s20 =	simm.s32 $0x1BFF;
	s19 =	sshll.u32 s4, $0x1;
	s1 =	sadd.s32 s2, s17  }
0x99: {  	s5 =	simm.s32 $0x0;
	s18 =	sshll.u32 s3, $0x1;
	s3 =	sadd.s32 s19, s1  }
0x9a: {  	[timem:s5], [sflag:s20] =	dma.local [hbm:s3], s18  }
0x9b: {  	_ =	swait.ge [sflag:s20], s18  }
0x9c: {  	s2 =	ssub.s32 $0x0, s18;
	[sflag:s20] =	ssyncset.done $0x0  }
0x9d: {  	[sflag:s20] =	ssyncadd.s32 s2;
	_ =	sdelay $0x1  }
0x9e: {  	s21 =	simm.s32 $0x1B8B  }
0x9f: {  	_ =	swait.ge [sflag:s21], $0x1  }
0xa0: {  	[sflag:s21] =	ssyncset.done $0x0  }
0xa1: {  	s23 =	simm.s32 $0x1B8E;
	s22 =	sld [smem:$0x3FFE];
	[sflag:s21] =	ssyncadd.s32 $0xFFFFFFFF  }
0xa2: {  	s24 =	simm.s32 $execute0_lowered;
	[smem:$0x3FD2] =	sst s23  }
0xa3: {  	s3 =	sshll.u32 s24, $0x1;
	_ =	strace $0x80000046;
	[dreg:$0x1] =	wrdreg $0xFFFFFFFF  }
0xa4: {  	s25 =	simm.s32 $_size_execute0_lowered;
	s1 =	sadd.s32 s1, s3;
	[dreg:$0x0] =	wrdreg $0x0  }
0xa5: {  	s3 =	sshll.u32 s25, $0x1;
	[dreg:$0x2] =	wrdreg s1  }
0xa6: {  	[dreg:$0x3] =	wrdreg s3  }
0xa7: {  	[dreg:$0x4] =	wrdreg $0xC0  }
0xa8: {  	_ =	task [dreg:s5], $0x5FFFF  }
0xa9: {  	[dreg:$0x1] =	wrdreg $0xFFFFFFFF  }
0xaa: {  	[dreg:$0x0] =	wrdreg $0x60  }
0xab: {  	[dreg:$0x2] =	wrdreg s0  }
0xac: {  	[dreg:$0x3] =	wrdreg s22  }
0xad: {  	[dreg:$0x4] =	wrdreg $0x9  }
0xae: {  	_ =	task.clear_ibuf [dreg:s5], $0x5FFFF;
	_ =	strace $0x90000046  }
0xaf: {  	s26 =	simm.s32 $0x9;
	_ =	strace $0x80000048  }
0xb0: {  	_ =	swait.ge [sflag:s26], $0x1  }
0xb1: {  	[sflag:s26] =	ssyncadd.s32 $0xFFFFFFFF  }
0xb2: {  	_ =	strace $0x90000048  }
0xb3: {  	_ =	sfence  }
0xb4: {  	s28 =	sld [smem:$0x0];
	_ =	sdelay $0x1  }
0xb5: {  	s29 =	srdreg.scid  }
0xb6: {  	s30 =	sshll.u32 s29, $0xD;
	s31 =	sshrl.u32 s29, $0x2  }
0xb7: {  	s2 =	sand.u32 $0x4000, s30;
	s1 =	sand.u32 $0x1, s29;
	s0 =	sadd.s32 s31, s28  }
0xb8: {  	s1 =	sor.u32 s2, s1;
	s0 =	sshll.u32 s0, $0x11  }
0xb9: {  	s0 =	sor.u32 s0, s1  }
0xba: {  	s0 =	sadd.s32 $0x8F2B, s0  }
0xbb: {  	[sflag:s0] =	ssyncadd.remote.s32 $0x1  }
0xbc: {  	_ =	sfence.sel $0xFFFF  }
0xbd: {  	[dreg:$0x0] =	wrdreg $0xFFFFFFFF;
	(pc) =	sbr.abs _section_cstart, $3  }
0xbe: {  	[dreg:$0x1] =	wrdreg $0xFFFFFFFF  }
0xbf: {  	_ =	task.clear_ibuf [dreg:s5], $0x2FFFF;
	_ =	strace $0x9FFFFFFF  }
0xc0: {  	(tm) =	ssettm $0x7FFFFFFF  }
0xc1: {  	_ =	shalt  }
tec
execute0_lowered:
.L_overlay_start_1:
0x0: {  	(tag) =	ssettag $0x1  }
0x1: {  	s0 =	stileid.u32;
	v0 =	vlaneseq.u32  }
0x2: {  	s2 =	sshll.u32 s0, $0x6;
	v0 =	vmul.u32 $0xFFFFFFFF, v0  }
0x3: {  	s4 =	sxor.u32 $0x3FE, s2  }
0x4: {  	s1 =	rddreg [dreg:$0x0];
	s25 =	sxor.u32 $0x3EE, s2;
	v1 =	vadd.s32 s4, v0  }
0x5: {  	s3 =	rddreg [dreg:$0x1];
	s6 =	simm.s32 $0x0;
	s26 =	sxor.u32 $0x3DE, s2;
	v2 =	vadd.s32 s25, v0;
	vm0 =	vlt.s32 v1, $0x0  }
0x6: {  	[smem:$0x7FF] =	sst s6;
	s2 =	sxor.u32 $0x3CE, s2;
	v3 =	vadd.s32 s26, v0;
	vm13 =	vlt.s32 v2, $0x0;
	v1 =	vsel vm0, $0x3FF, v1  }
0x7: {  	s5 =	rddreg [dreg:$0x2];
	_ =	strace $0x80000047;
	v0 =	vadd.s32 s2, v0;
	vm14 =	vlt.s32 v3, $0x0;
	v2 =	vsel vm13, $0x3FF, v2;
	[tilespmem:$0x0] =	vst v1  }
0x8: {  	vm15 =	vlt.s32 v0, $0x0;
	v63 =	vsel vm14, $0x3FF, v3;
	[tilespmem:$0x10] =	vst v2  }
0x9: {  	v0 =	vsel vm15, $0x3FF, v0;
	[tilespmem:$0x20] =	vst v63  }
0xa: {  	s28 =	simm.s32 $0x40;
	s29 =	simm.s32 $0x1;
	[tilespmem:$0x30] =	vst v0  }
0xb: {  	[tilespmem:s28], [sflag:$0x1] =	stream.indirect.gather [hbm4b:s1+s28], $0x100, s6, s28, $0xb8;
	[tilespmem:$0x4040] =	vst v63  }
0xc: {  	s30 =	sshll.u32 s0, $0xB;
	_ =	swait.ge [sflag:s29], $0x4000  }
0xd: {  	s3 =	sadd.s32 s30, s3;
	[sflag:s29] =	ssyncset.done $0x0  }
0xe: {  	s31 =	simm.s32 $0x2;
	s3 =	sadd.s32 $0x400, s3;
	[sflag:s29] =	ssyncadd.s32 $0xFFFFC000  }
0xf: {  	[hbm4b:s3+s6] =	stream.linear.scatter [tilespmem:s28], [sflag:$0x2], $0x4000, $0x38;
	[tilespmem:$0x4040] =	vst v63  }
0x10: {  	_ =	swait.ge [sflag:s31], $0x4000  }
0x11: {  	[sflag:s31] =	ssyncset.done $0x0  }
0x12: {  	[sflag:s31] =	ssyncadd.s32 $0xFFFFC000  }
0x13: {  	_ =	sfence.sel $0x180000  }
0x14: {  	[bflag:$0x0] =	sbarrier.arrive $0xFFFF  }
0x15: {  	p0 =	sne.s32 s0, $0x0;
	_ =	strace $0x90000047  }
0x16: {  	s0 =	sadd.s32 @!p0 $0x100000, s5;
	[bflag:$0x2] =	sbarrier.arrive $0xFFFF  }
0x17: {  	[sflag:s0] =	ssyncadd.tile.s32 @!p0 $0x1;
	_ =	shalt  }
.Lfunc_end2:
_tile_overlayer_lowered:
.L_overlay_start_2:
0x18: {  	(tag) =	ssettag $0x2  }
0x19: {  	s0 =	rddreg [dreg:$0x0];
	s2 =	stileid.u32  }
0x1a: {  	s1 =	rddreg [dreg:$0x1];
	p0 =	sne.s32 s2, $0x0  }
0x1b: {  	s3 =	rddreg [dreg:$0x2];
	[bflag:$0x3] =	sbarrier.arrive $0xFFFF;
	s2 =	simm.s32 @!p0 $0x1C02  }
0x1c: {  	[timem:s3], [sflag:s2] =	dma.local @!p0 [hbm:s0], s1  }
0x1d: {  	s0 =	simm.s32 @!p0 $0x2  }
0x1e: {  	_ =	swait.ge @!p0 [sflag:s0], s1  }
0x1f: {  	s1 =	ssub.s32 @!p0 $0x0, s1;
	[sflag:s0] =	ssyncset.done @!p0 $0x0  }
0x20: {  	[sflag:s0] =	ssyncadd.s32 @!p0 s1  }
0x21: {  	[bflag:$0x3] =	sbarrier.arrive $0xFFFF  }
0x22: {  	_ =	shalt  }

</sc_bundles>
